<compile_context>
chip_gen: v7x
topology: tpu7x:2x2x1
jax: 0.10.2.dev20260603
libtpu: 0.0.44.dev20260713+nightly
codegen_flags: <defaults>
</compile_context>

<pallas_src>
import functools

import jax
import jax.numpy as jnp
from jax import lax
from jax.experimental import pallas as pl
from jax.experimental.pallas import tpu as pltpu

_TILE_V = 2048


def _body(stok_ref, order_ref, starts_ref, tbl_ref, w_ref, b_ref, o_ref,
          x_ref, tpose_ref, sem, *, tile_v):
    p = pl.program_id(0)
    j = pl.program_id(1)

    @pl.when(p == 0)
    def _gather():
        tpose_ref[...] = jnp.transpose(tbl_ref[...])
        lo = j * tile_v

        def issue_one(i, carry):
            local = stok_ref[i] - lo
            dst = order_ref[i]
            pltpu.make_async_copy(
                tpose_ref.at[pl.ds(local, 1), :],
                x_ref.at[pl.ds(dst, 1), :],
                sem,
            ).start()
            return carry

        def drain_one(i, carry):
            pltpu.make_async_copy(
                tpose_ref.at[pl.ds(0, 1), :],
                x_ref.at[pl.ds(0, 1), :],
                sem,
            ).wait()
            return carry

        lax.fori_loop(starts_ref[j], starts_ref[j + 1], issue_one, 0)
        lax.fori_loop(starts_ref[j], starts_ref[j + 1], drain_one, 0)

    @pl.when(p == 1)
    def _matmul():
        acc = lax.dot_general(
            w_ref[...],
            x_ref[...],
            (((0,), (1,)), ((), ())),
            preferred_element_type=jnp.float32,
        )
        o_ref[...] = acc + jnp.transpose(b_ref[...])


def kernel(input_token, emb_table, fc_weight, fc_bias):
    V, D = emb_table.shape
    B = input_token.shape[0]
    tile_v = _TILE_V
    grid_j = pl.cdiv(V, tile_v)

    tokens = input_token.astype(jnp.int32)
    order = jnp.argsort(tokens).astype(jnp.int32)
    sorted_tok = jnp.take(tokens, order)
    shift = tile_v.bit_length() - 1
    counts = jnp.zeros(grid_j, jnp.int32).at[tokens >> shift].add(1)
    starts = jnp.concatenate(
        [jnp.zeros(1, jnp.int32), jnp.cumsum(counts, dtype=jnp.int32)]
    )

    table_t = emb_table.T
    w_t = fc_weight.T
    bias2d = fc_bias.reshape(1, V)

    grid_spec = pltpu.PrefetchScalarGridSpec(
        num_scalar_prefetch=3,
        grid=(2, grid_j),
        in_specs=[
            pl.BlockSpec(
                (D, tile_v), lambda p, j, *_: (0, jnp.where(p == 0, j, 0))
            ),
            pl.BlockSpec(
                (D, tile_v), lambda p, j, *_: (0, jnp.where(p == 1, j, 0))
            ),
            pl.BlockSpec(
                (1, tile_v), lambda p, j, *_: (0, jnp.where(p == 1, j, 0))
            ),
        ],
        out_specs=pl.BlockSpec(
            (tile_v, B), lambda p, j, *_: (jnp.where(p == 1, j, 0), 0)
        ),
        scratch_shapes=[
            pltpu.VMEM((B, D), jnp.float32),
            pltpu.VMEM((tile_v, D), jnp.float32),
            pltpu.SemaphoreType.DMA,
        ],
    )
    out_t = pl.pallas_call(
        functools.partial(_body, tile_v=tile_v),
        grid_spec=grid_spec,
        out_shape=jax.ShapeDtypeStruct((V, B), jnp.float32),
        compiler_params=pltpu.CompilerParams(
            dimension_semantics=("arbitrary", "arbitrary"),
        ),
    )(sorted_tok, order, starts, table_t, w_t, bias2d)
    return out_t.T

# --- scband reference (transcript-rebuilt; emitter-appended) ---
"""Pipeline reference for scband-skip-gram-model-37245956391378 (READ-ONLY COPY).

The authoritative reference and input builder live on the scoring server;
editing this copy changes nothing except your own understanding.
"""

import jax, jax.numpy as jnp
import numpy as np

N_VOCAB = 100000
N_EMB = 64
BATCH = 1024

def setup_inputs(seed: int = 0) -> dict:
    key = jax.random.key(seed)
    k_idx, k_emb, k_w, k_b = jax.random.split(key, 4)
    input_token = jax.random.randint(k_idx, (BATCH,), 0, N_VOCAB, dtype=jnp.int64) if jax.config.jax_enable_x64 else jax.random.randint(k_idx, (BATCH,), 0, N_VOCAB, dtype=jnp.int32)
    emb_table = jax.random.normal(k_emb, (N_VOCAB, N_EMB), dtype=jnp.float32) * 0.02
    fc_weight = jax.random.normal(k_w, (N_VOCAB, N_EMB), dtype=jnp.float32) * 0.02  # torch Linear: [out_features, in_features]
    fc_bias = jax.random.normal(k_b, (N_VOCAB,), dtype=jnp.float32) * 0.02
    return {"input_token": input_token, "emb_table": emb_table, "fc_weight": fc_weight, "fc_bias": fc_bias}

def reference(input_token, emb_table, fc_weight, fc_bias):
    # embedding lookup (gather)
    embedding_out = jnp.take(emb_table, input_token, axis=0)  # [B, N_EMB]
    # linear projection to vocab logits: x @ W^T + b
    fc_out = embedding_out @ fc_weight.T + fc_bias  # [B, N_VOCAB]
    return fc_out

if __name__ == "__main__":
    import jax
    _d = setup_inputs()
    print(jax.jit(kernel)(*tuple(_d.values())))

</pallas_src>

<mosaic_0001>
module attributes {stable_mosaic.version = 14 : i64} {
  func.func @_body(%arg0: i32, %arg1: i32, %arg2: memref<1024xi32, #tpu.memory_space<smem>>, %arg3: memref<1024xi32, #tpu.memory_space<smem>>, %arg4: memref<50xi32, #tpu.memory_space<smem>>, %arg5: memref<64x2048xf32, #tpu.memory_space<vmem>>, %arg6: memref<64x2048xf32, #tpu.memory_space<vmem>>, %arg7: memref<1x2048xf32, #tpu.memory_space<vmem>>, %arg8: memref<2048x1024xf32, #tpu.memory_space<vmem>>, %arg9: memref<1024x64xf32, #tpu.memory_space<vmem>>, %arg10: memref<2048x64xf32, #tpu.memory_space<vmem>>, %arg11: memref<!tpu.dma_semaphore, #tpu.memory_space<semaphore_mem>>) attributes {dimension_semantics = [#tpu.dimension_semantics<arbitrary>, #tpu.dimension_semantics<arbitrary>], iteration_bounds = array<i64: 2, 49>, scalar_prefetch = 3 : i64, scratch_operands = 3 : i64, tpu.core_type = #tpu.core_type<tc>, window_params = [{transform_indices = @transform_0, window_bounds = array<i64: 64, 2048>}, {transform_indices = @transform_1, window_bounds = array<i64: 64, 2048>}, {transform_indices = @transform_2, window_bounds = array<i64: 1, 2048>}, {transform_indices = @transform_3, window_bounds = array<i64: 2048, 1024>}]} {
    %eq3A = arith.constant 0 : i32
    %eq3A_0 = arith.cmpi eq, %arg0, %eq3A : i32
    %convert_element_type3A = arith.extui %eq3A_0 : i1 to i32
    %cond3A = arith.constant 0 : i32
    %cond3A_1 = arith.cmpi ne, %convert_element_type3A, %cond3A : i32
    scf.if %cond3A_1 {
      %get3A = arith.constant 0 : index
      %get3A_7 = arith.constant 0 : index
      %get3A_8 = vector.load %arg5[%get3A, %get3A_7] : memref<64x2048xf32, #tpu.memory_space<vmem>>, vector<64x2048xf32>
      %transpose3A = tpu.transpose %get3A_8, [1, 0] : vector<64x2048xf32> -> vector<2048x64xf32>
      %swap3A = arith.constant 0 : index
      %swap3A_9 = arith.constant 0 : index
      %swap3A_10 = vector.load %arg10[%swap3A, %swap3A_9] : memref<2048x64xf32, #tpu.memory_space<vmem>>, vector<2048x64xf32>
      tpu.vector_store %arg10[%swap3A, %swap3A_9], %transpose3A {strides = array<i32>} : memref<2048x64xf32, #tpu.memory_space<vmem>>, vector<2048x64xf32>,
      %mul3A = arith.constant 2048 : i32
      %mul3A_11 = arith.muli %arg1, %mul3A : i32
      %get3A_12 = arith.index_cast %arg1 : i32 to index
      %get3A_13 = memref.load %arg4[%get3A_12] : memref<50xi32, #tpu.memory_space<smem>>
      %add3A = arith.constant 1 : i32
      %add3A_14 = arith.addi %arg1, %add3A : i32
      %get3A_15 = arith.index_cast %add3A_14 : i32 to index
      %get3A_16 = memref.load %arg4[%get3A_15] : memref<50xi32, #tpu.memory_space<smem>>
      %while3A = arith.constant 0 : i32
      %while3A_17 = arith.subi %get3A_16, %get3A_13 : i32
      %while3A_18 = arith.addi %get3A_13, %while3A_17 : i32
      %while3A_19 = arith.constant 1 : i32
      %while3A_20 = arith.divsi %while3A_17, %while3A_19 : i32
      %while3A_21 = arith.muli %while3A_20, %while3A_19 : i32
      %while3A_22 = arith.addi %get3A_13, %while3A_21 : i32
      %while3A_23 = arith.constant 1 : i32
      scf.for %while3A_40 = %get3A_13 to %while3A_22 step %while3A_23  : i32 {
        %get3A_41 = arith.index_cast %while3A_40 : i32 to index
        %get3A_42 = memref.load %arg2[%get3A_41] : memref<1024xi32, #tpu.memory_space<smem>>
        %sub3A = arith.subi %get3A_42, %mul3A_11 : i32
        %get3A_43 = arith.index_cast %while3A_40 : i32 to index
        %get3A_44 = memref.load %arg3[%get3A_43] : memref<1024xi32, #tpu.memory_space<smem>>
        %dma_start3A = arith.constant 0 : i32
        %dma_start3A_45 = tpu.memref_slice %arg9[%get3A_44, %dma_start3A] : memref<1024x64xf32, #tpu.memory_space<vmem>> -> memref<1x64xf32, #tpu.memory_space<vmem>>
        %dma_start3A_46 = arith.constant 0 : i32
        %dma_start3A_47 = tpu.memref_slice %arg10[%sub3A, %dma_start3A_46] : memref<2048x64xf32, #tpu.memory_space<vmem>> -> memref<1x64xf32, #tpu.memory_space<vmem>>
        tpu.enqueue_dma source(%dma_start3A_47 : memref<1x64xf32, #tpu.memory_space<vmem>>) target(%dma_start3A_45 : memref<1x64xf32, #tpu.memory_space<vmem>>) target_semaphore(%arg11 : memref<!tpu.dma_semaphore, #tpu.memory_space<semaphore_mem>>)
      }
      %while3A_24 = arith.constant 1 : i32
      scf.for %while3A_40 = %while3A_22 to %while3A_18 step %while3A_24  : i32 {
        %get3A_41 = arith.index_cast %while3A_40 : i32 to index
        %get3A_42 = memref.load %arg2[%get3A_41] : memref<1024xi32, #tpu.memory_space<smem>>
        %sub3A = arith.subi %get3A_42, %mul3A_11 : i32
        %get3A_43 = arith.index_cast %while3A_40 : i32 to index
        %get3A_44 = memref.load %arg3[%get3A_43] : memref<1024xi32, #tpu.memory_space<smem>>
        %dma_start3A = arith.constant 0 : i32
        %dma_start3A_45 = tpu.memref_slice %arg9[%get3A_44, %dma_start3A] : memref<1024x64xf32, #tpu.memory_space<vmem>> -> memref<1x64xf32, #tpu.memory_space<vmem>>
        %dma_start3A_46 = arith.constant 0 : i32
        %dma_start3A_47 = tpu.memref_slice %arg10[%sub3A, %dma_start3A_46] : memref<2048x64xf32, #tpu.memory_space<vmem>> -> memref<1x64xf32, #tpu.memory_space<vmem>>
        tpu.enqueue_dma source(%dma_start3A_47 : memref<1x64xf32, #tpu.memory_space<vmem>>) target(%dma_start3A_45 : memref<1x64xf32, #tpu.memory_space<vmem>>) target_semaphore(%arg11 : memref<!tpu.dma_semaphore, #tpu.memory_space<semaphore_mem>>)
      }
      %get3A_25 = arith.index_cast %arg1 : i32 to index
      %get3A_26 = memref.load %arg4[%get3A_25] : memref<50xi32, #tpu.memory_space<smem>>
      %add3A_27 = arith.constant 1 : i32
      %add3A_28 = arith.addi %arg1, %add3A_27 : i32
      %get3A_29 = arith.index_cast %add3A_28 : i32 to index
      %get3A_30 = memref.load %arg4[%get3A_29] : memref<50xi32, #tpu.memory_space<smem>>
      %while3A_31 = arith.constant 0 : i32
      %while3A_32 = arith.subi %get3A_30, %get3A_26 : i32
      %while3A_33 = arith.addi %get3A_26, %while3A_32 : i32
      %while3A_34 = arith.constant 1 : i32
      %while3A_35 = arith.divsi %while3A_32, %while3A_34 : i32
      %while3A_36 = arith.muli %while3A_35, %while3A_34 : i32
      %while3A_37 = arith.addi %get3A_26, %while3A_36 : i32
      %while3A_38 = arith.constant 1 : i32
      scf.for %while3A_40 = %get3A_26 to %while3A_37 step %while3A_38  : i32 {
        %dma_wait3A = arith.constant 0 : i32
        %dma_wait3A_41 = arith.constant 0 : i32
        %dma_wait3A_42 = tpu.memref_slice %arg9[%dma_wait3A, %dma_wait3A_41] : memref<1024x64xf32, #tpu.memory_space<vmem>> -> memref<1x64xf32, #tpu.memory_space<vmem>>
        %dma_wait3A_43 = arith.constant 0 : i32
        %dma_wait3A_44 = arith.constant 0 : i32
        %dma_wait3A_45 = tpu.memref_slice %arg10[%dma_wait3A_43, %dma_wait3A_44] : memref<2048x64xf32, #tpu.memory_space<vmem>> -> memref<1x64xf32, #tpu.memory_space<vmem>>
        tpu.wait_dma2 semaphore(%arg11 : memref<!tpu.dma_semaphore, #tpu.memory_space<semaphore_mem>>) src(%dma_wait3A_45 : memref<1x64xf32, #tpu.memory_space<vmem>>) dst(%dma_wait3A_42 : memref<1x64xf32, #tpu.memory_space<vmem>>)
      }
      %while3A_39 = arith.constant 1 : i32
      scf.for %while3A_40 = %while3A_37 to %while3A_33 step %while3A_39  : i32 {
        %dma_wait3A = arith.constant 0 : i32
        %dma_wait3A_41 = arith.constant 0 : i32
        %dma_wait3A_42 = tpu.memref_slice %arg9[%dma_wait3A, %dma_wait3A_41] : memref<1024x64xf32, #tpu.memory_space<vmem>> -> memref<1x64xf32, #tpu.memory_space<vmem>>
        %dma_wait3A_43 = arith.constant 0 : i32
        %dma_wait3A_44 = arith.constant 0 : i32
        %dma_wait3A_45 = tpu.memref_slice %arg10[%dma_wait3A_43, %dma_wait3A_44] : memref<2048x64xf32, #tpu.memory_space<vmem>> -> memref<1x64xf32, #tpu.memory_space<vmem>>
        tpu.wait_dma2 semaphore(%arg11 : memref<!tpu.dma_semaphore, #tpu.memory_space<semaphore_mem>>) src(%dma_wait3A_45 : memref<1x64xf32, #tpu.memory_space<vmem>>) dst(%dma_wait3A_42 : memref<1x64xf32, #tpu.memory_space<vmem>>)
      }
    } else {
    }
    %eq3A_2 = arith.constant 1 : i32
    %eq3A_3 = arith.cmpi eq, %arg0, %eq3A_2 : i32
    %convert_element_type3A_4 = arith.extui %eq3A_3 : i1 to i32
    %cond3A_5 = arith.constant 0 : i32
    %cond3A_6 = arith.cmpi ne, %convert_element_type3A_4, %cond3A_5 : i32
    scf.if %cond3A_6 {
      %get3A = arith.constant 0 : index
      %get3A_7 = arith.constant 0 : index
      %get3A_8 = vector.load %arg6[%get3A, %get3A_7] : memref<64x2048xf32, #tpu.memory_space<vmem>>, vector<64x2048xf32>
      %get3A_9 = arith.constant 0 : index
      %get3A_10 = arith.constant 0 : index
      %get3A_11 = vector.load %arg9[%get3A_9, %get3A_10] : memref<1024x64xf32, #tpu.memory_space<vmem>>, vector<1024x64xf32>
      %dot_general3A = arith.constant dense<0.000000e+00> : vector<2048x1024xf32>
      %dot_general3A_12 = tpu.matmul %get3A_8, %get3A_11, %dot_general3A {dimension_numbers = #tpu.dot_dimension_numbers<[0], [1], [1], [0], [0, 1, 1, 0], [], []>, transpose_lhs_hint = false} : vector<64x2048xf32>, vector<1024x64xf32>, vector<2048x1024xf32> -> vector<2048x1024xf32>
      %get3A_13 = arith.constant 0 : index
      %get3A_14 = arith.constant 0 : index
      %get3A_15 = vector.load %arg7[%get3A_13, %get3A_14] : memref<1x2048xf32, #tpu.memory_space<vmem>>, vector<1x2048xf32>
      %transpose3A = tpu.transpose %get3A_15, [1, 0] : vector<1x2048xf32> -> vector<2048x1xf32>
      %add3A = vector.broadcast %transpose3A : vector<2048x1xf32> to vector<2048x1024xf32>
      %add3A_16 = arith.addf %dot_general3A_12, %add3A : vector<2048x1024xf32>
      %swap3A = arith.constant 0 : index
      %swap3A_17 = arith.constant 0 : index
      %swap3A_18 = vector.load %arg8[%swap3A, %swap3A_17] : memref<2048x1024xf32, #tpu.memory_space<vmem>>, vector<2048x1024xf32>
      tpu.vector_store %arg8[%swap3A, %swap3A_17], %add3A_16 {strides = array<i32>} : memref<2048x1024xf32, #tpu.memory_space<vmem>>, vector<2048x1024xf32>,
    } else {
    }
    return
  }
  func.func @transform_0(%arg0: i32, %arg1: i32, %arg2: memref<1024xi32, #tpu.memory_space<smem>>, %arg3: memref<1024xi32, #tpu.memory_space<smem>>, %arg4: memref<50xi32, #tpu.memory_space<smem>>) -> (i32, i32) {
    %eq3A = arith.constant 0 : i32
    %eq3A_0 = arith.cmpi eq, %arg0, %eq3A : i32
    %jit3A = arith.constant 0 : i32
    %select_n3A = arith.select %eq3A_0, %arg1, %jit3A : i32
    %c0_i32 = arith.constant 0 : i32
    %c0_i32_1 = arith.constant 0 : i32
    return %c0_i32, %select_n3A : i32, i32
  }
  func.func @transform_1(%arg0: i32, %arg1: i32, %arg2: memref<1024xi32, #tpu.memory_space<smem>>, %arg3: memref<1024xi32, #tpu.memory_space<smem>>, %arg4: memref<50xi32, #tpu.memory_space<smem>>) -> (i32, i32) {
    %eq3A = arith.constant 1 : i32
    %eq3A_0 = arith.cmpi eq, %arg0, %eq3A : i32
    %jit3A = arith.constant 0 : i32
    %select_n3A = arith.select %eq3A_0, %arg1, %jit3A : i32
    %c0_i32 = arith.constant 0 : i32
    %c0_i32_1 = arith.constant 0 : i32
    return %c0_i32, %select_n3A : i32, i32
  }
  func.func @transform_2(%arg0: i32, %arg1: i32, %arg2: memref<1024xi32, #tpu.memory_space<smem>>, %arg3: memref<1024xi32, #tpu.memory_space<smem>>, %arg4: memref<50xi32, #tpu.memory_space<smem>>) -> (i32, i32) {
    %eq3A = arith.constant 1 : i32
    %eq3A_0 = arith.cmpi eq, %arg0, %eq3A : i32
    %jit3A = arith.constant 0 : i32
    %select_n3A = arith.select %eq3A_0, %arg1, %jit3A : i32
    %c0_i32 = arith.constant 0 : i32
    %c0_i32_1 = arith.constant 0 : i32
    return %c0_i32, %select_n3A : i32, i32
  }
  func.func @transform_3(%arg0: i32, %arg1: i32, %arg2: memref<1024xi32, #tpu.memory_space<smem>>, %arg3: memref<1024xi32, #tpu.memory_space<smem>>, %arg4: memref<50xi32, #tpu.memory_space<smem>>) -> (i32, i32) {
    %eq3A = arith.constant 1 : i32
    %eq3A_0 = arith.cmpi eq, %arg0, %eq3A : i32
    %jit3A = arith.constant 0 : i32
    %select_n3A = arith.select %eq3A_0, %arg1, %jit3A : i32
    %c0_i32 = arith.constant 0 : i32
    %c0_i32_1 = arith.constant 0 : i32
    return %select_n3A, %c0_i32 : i32, i32
  }
}

</mosaic_0001>

<sc_bundles>
// kernel: scatter_offload_async_start
scs
__scs_entry_jumppad:
0x0: {  	(pc) =	sbr.rel $0x88, $3  }
0x1: {  	(tag) =	ssettag $0x0;
	lr =	simm.s32 $0x1  }
0x2: {  	[smem:$0x3F9D] =	sst lr;
	_ =	strace $0xD0000000  }
0x3: {  	_ = 	snop  }
0x4: {  	_ = 	snop  }
0x5: {  	_ = 	snop  }
0x6: {  	_ = 	snop  }
0x7: {  	_ = 	snop  }
__scs_overlays_trampoline_lowered:
0x8: {  	[smem:$0x3FAC] =	sst s0  }
0x9: {  	[smem:$0x3FAD] =	sst s1  }
0xa: {  	[smem:$0x3FAE] =	sst s2  }
0xb: {  	[smem:$0x3FAF] =	sst s3  }
0xc: {  	[smem:$0x3FB0] =	sst s4  }
0xd: {  	[smem:$0x3FB1] =	sst s5  }
0xe: {  	[smem:$0x3FB2] =	sst s6  }
0xf: {  	[smem:$0x3FB3] =	sst s7  }
0x10: {  	[smem:$0x3FB4] =	sst s8  }
0x11: {  	[smem:$0x3FB5] =	sst s9;
	s0 =	simm.s32 @!p0 $0x0  }
0x12: {  	s1 =	sld [smem:$0x3F9B];
	s0 =	simm.s32 @p0 $0x1  }
0x13: {  	[smem:$0x3FB6] =	sst s0;
	s0 =	simm.s32 @!p1 $0x0  }
0x14: {  	s2 =	sld [smem:$0x3F9A];
	s0 =	simm.s32 @p1 $0x1  }
0x15: {  	[smem:$0x3FB7] =	sst s0;
	s0 =	simm.s32 @!p2 $0x0  }
0x16: {  	s3 =	sld [smem:$0x3FDB];
	s0 =	simm.s32 @p2 $0x1  }
0x17: {  	s4 =	simm.s32 $0x1BF5;
	[smem:$0x3FB9] =	sst s0  }
0x18: {  	s0 =	sld [smem:$0x3F9C];
	_ =	swait.ge [sflag:s4], $0x0  }
0x19: {  	s7 =	sld [smem:$0x3F9D]  }
0x1a: {  	s8 =	sadd.s32 $0xFFFFE003, lr  }
0x1b: {  	s9 =	sadd.s32 $0xFFFFFEF7, lr;
	s5 =	simm.s32 $0xFFFFFFFF;
	p2 =	slt.u32 s8, $0xFFFFF086  }
0x1c: {  	p1 =	slt.u32 s9, $0xF7A;
	s5 =	simm.s32 @!p2 $0x0  }
0x1d: {  	s5 =	simm.s32 @p1 $0x1;
	p0 =	seq.s32 s7, s2  }
0x1e: {  	s7 =	smul.u32 @!p0 $0xF7A, s2;
	p2 =	seq.s32 @!p0 s5, $0x0  }
0x1f: {  	s9 =	smul.u32 $0xF7A, s1;
	s8 =	simm.s32 @!p0 $0x1BF5;
	p2 =	por !p2, p0  }
0x20: {  	[sflag:s8] =	ssyncset.s32 @!p0 $0xFFFFF086;
	s6 =	sadd.s32 @!p0 s3, s7;
	s7 =	simm.s32 @!p0 $0x108  }
0x21: {  	s3 =	sadd.s32 s3, s9;
	s6 =	sadd.s32 @!p0 $0x88, s6;
	s7 =	simm.s32 @p2 $0x1082  }
0x22: {  	[simem:s7], [sflag:s8] =	dma.local @!p0 [hbm:s6], $0xF7A  }
0x23: {  	s9 =	sor.u32 $0xD0000000, s2;
	s6 =	simm.s32 $0x108;
	_ =	swait.ge @!p0 [sflag:s8], $0x0  }
0x24: {  	s3 =	sadd.s32 $0x88, s3;
	s6 =	simm.s32 @!p1 $0x1082;
	[sflag:s4] =	ssyncset.s32 $0xFFFFF086  }
0x25: {  	[simem:s6], [sflag:s4] =	dma.local [hbm:s3], $0xF7A  }
0x26: {  	[smem:$0x3F9D] =	sst s1;
	(tag) =	ssettag s2;
	_ =	strace s9  }
0x27: {  	s1 =	sld [smem:$0x3FAD]  }
0x28: {  	s2 =	sld [smem:$0x3FAE]  }
0x29: {  	s4 =	sld [smem:$0x3FB0]  }
0x2a: {  	p0 =	seq.s32 s5, $0x0;
	s5 =	sld [smem:$0x3FB1]  }
0x2b: {  	s6 =	sld [smem:$0x3FB2]  }
0x2c: {  	s7 =	sld [smem:$0x3FB3]  }
0x2d: {  	s3 =	simm.s32 $0x108;
	s8 =	sld [smem:$0x3FB4]  }
0x2e: {  	s3 =	simm.s32 @!p0 $0x1082;
	s9 =	sld [smem:$0x3FB5]  }
0x2f: {  	lr =	sadd.s32 s0, s3;
	s0 =	sld [smem:$0x3FAC]  }
0x30: {  	s3 =	sld [smem:$0x3FAF]  }
0x31: {  	[smem:$0x3FB8] =	sst s10  }
0x32: {  	s10 =	sld [smem:$0x3FB6];
	_ =	sdelay $0x3  }
0x33: {  	p0 =	seq.s32 s10, $0x1;
	s10 =	sld [smem:$0x3FB8];
	_ =	sdelay $0x3  }
0x34: {  	[smem:$0x3FB8] =	sst s10  }
0x35: {  	s10 =	sld [smem:$0x3FB7];
	_ =	sdelay $0x3  }
0x36: {  	p1 =	seq.s32 s10, $0x1;
	s10 =	sld [smem:$0x3FB8];
	_ =	sdelay $0x3  }
0x37: {  	[smem:$0x3FB8] =	sst s10  }
0x38: {  	s10 =	sld [smem:$0x3FB9]  }
0x39: {  	_ = 	snop;
	(pc) =	sbr.ind lr, $3  }
0x3a: {  	_ = 	snop  }
0x3b: {  	_ = 	snop  }
0x3c: {  	p2 =	seq.s32 s10, $0x1;
	s10 =	sld [smem:$0x3FB8]  }
0x3d: {  	_ =	shalt  }
0x3e: {  	_ =	shalt  }
0x3f: {  	_ =	shalt  }
0x40: {  	_ =	shalt  }
0x41: {  	_ =	shalt  }
0x42: {  	_ =	shalt  }
0x43: {  	_ =	shalt  }
0x44: {  	_ =	shalt  }
0x45: {  	_ =	shalt  }
0x46: {  	_ =	shalt  }
0x47: {  	_ =	shalt  }
0x48: {  	_ =	shalt  }
0x49: {  	_ =	shalt  }
0x4a: {  	_ =	shalt  }
0x4b: {  	_ =	shalt  }
0x4c: {  	_ =	shalt  }
0x4d: {  	_ =	shalt  }
0x4e: {  	_ =	shalt  }
0x4f: {  	_ =	shalt  }
0x50: {  	_ =	shalt  }
0x51: {  	_ =	shalt  }
0x52: {  	_ =	shalt  }
0x53: {  	_ =	shalt  }
0x54: {  	_ =	shalt  }
0x55: {  	_ =	shalt  }
0x56: {  	_ =	shalt  }
0x57: {  	_ =	shalt  }
0x58: {  	_ =	shalt  }
0x59: {  	_ =	shalt  }
0x5a: {  	_ =	shalt  }
0x5b: {  	_ =	shalt  }
0x5c: {  	_ =	shalt  }
0x5d: {  	_ =	shalt  }
0x5e: {  	_ =	shalt  }
0x5f: {  	_ =	shalt  }
0x60: {  	_ =	shalt  }
0x61: {  	_ =	shalt  }
0x62: {  	_ =	shalt  }
0x63: {  	_ =	shalt  }
0x64: {  	_ =	shalt  }
0x65: {  	_ =	shalt  }
0x66: {  	_ =	shalt  }
0x67: {  	_ =	shalt  }
0x68: {  	_ =	shalt  }
0x69: {  	_ =	shalt  }
0x6a: {  	_ =	shalt  }
0x6b: {  	_ =	shalt  }
0x6c: {  	_ =	shalt  }
0x6d: {  	_ =	shalt  }
0x6e: {  	_ =	shalt  }
0x6f: {  	_ =	shalt  }
0x70: {  	_ =	shalt  }
0x71: {  	_ =	shalt  }
0x72: {  	_ =	shalt  }
0x73: {  	_ =	shalt  }
0x74: {  	_ =	shalt  }
0x75: {  	_ =	shalt  }
0x76: {  	_ =	shalt  }
0x77: {  	_ =	shalt  }
0x78: {  	_ =	shalt  }
0x79: {  	_ =	shalt  }
0x7a: {  	_ =	shalt  }
0x7b: {  	_ =	shalt  }
0x7c: {  	_ =	shalt  }
0x7d: {  	_ =	shalt  }
0x7e: {  	_ =	shalt  }
0x7f: {  	_ =	shalt  }
0x80: {  	_ =	shalt  }
0x81: {  	_ =	shalt  }
0x82: {  	_ =	shalt  }
0x83: {  	_ =	shalt  }
0x84: {  	_ =	shalt  }
0x85: {  	_ =	shalt  }
0x86: {  	_ =	shalt  }
0x87: {  	_ =	shalt  }
.Lfunc_end0:
.L_simem_size_0:
called_computation_lowered:
.L_overlay_start_0:
0x88: {  	s0 =	sld [smem:$0x3FD9]  }
0x89: {  	s1 =	sld [smem:$0x3FFE];
	_ =	sdelay $0x3  }
0x8a: {  	s0 =	sadd.s32 s1, s0  }
0x8b: {  	[smem:$0x3FC4] =	sst s0  }
0x8c: {  	_ = 	snop  }
0x8d: {  	s0 =	sld [smem:$0x3FD0];
	(tm) =	ssettm $0x1  }
0x8e: {  	s16 =	sld [smem:$0x3FFB];
	_ =	sdelay $0x3  }
0x8f: {  	_ =	strace s16  }
0x90: {  	s1 =	sld [smem:$0x3FFC];
	_ =	sdelay $0x3  }
0x91: {  	_ =	strace s1  }
0x92: {  	s1 =	sld [smem:$0x3FFD];
	_ =	sdelay $0x3  }
0x93: {  	_ =	strace s1  }
0x94: {  	_ =	strace $0x8FFFFFFF  }
0x95: {  	s17 =	sld [smem:$0x3FDB];
	_ =	sdelay $0x1  }
0x96: {  	s2 =	simm.s32 $_scs_section_size  }
0x97: {  	s3 =	simm.s32 $_size__tile_overlayer_lowered;
	s4 =	simm.s32 $_tile_overlayer_lowered  }
0x98: {  	s20 =	simm.s32 $0x1BFF;
	s19 =	sshll.u32 s4, $0x1;
	s1 =	sadd.s32 s2, s17  }
0x99: {  	s5 =	simm.s32 $0x0;
	s18 =	sshll.u32 s3, $0x1;
	s3 =	sadd.s32 s19, s1  }
0x9a: {  	[timem:s5], [sflag:s20] =	dma.local [hbm:s3], s18  }
0x9b: {  	_ =	swait.ge [sflag:s20], s18  }
0x9c: {  	s2 =	ssub.s32 $0x0, s18;
	[sflag:s20] =	ssyncset.done $0x0  }
0x9d: {  	[sflag:s20] =	ssyncadd.s32 s2;
	_ =	sdelay $0x1  }
0x9e: {  	s21 =	simm.s32 $0x1B8B  }
0x9f: {  	_ =	swait.ge [sflag:s21], $0x1  }
0xa0: {  	[sflag:s21] =	ssyncset.done $0x0  }
0xa1: {  	s23 =	simm.s32 $0x1B8E;
	s22 =	sld [smem:$0x3FFE];
	[sflag:s21] =	ssyncadd.s32 $0xFFFFFFFF  }
0xa2: {  	s24 =	simm.s32 $execute0_lowered;
	[smem:$0x3FD2] =	sst s23  }
0xa3: {  	s3 =	sshll.u32 s24, $0x1;
	_ =	strace $0x80000046;
	[dreg:$0x1] =	wrdreg $0xFFFFFFFF  }
0xa4: {  	s25 =	simm.s32 $_size_execute0_lowered;
	s1 =	sadd.s32 s1, s3;
	[dreg:$0x0] =	wrdreg $0x0  }
0xa5: {  	s3 =	sshll.u32 s25, $0x1;
	[dreg:$0x2] =	wrdreg s1  }
0xa6: {  	[dreg:$0x3] =	wrdreg s3  }
0xa7: {  	[dreg:$0x4] =	wrdreg $0xC0  }
0xa8: {  	_ =	task [dreg:s5], $0x5FFFF  }
0xa9: {  	[dreg:$0x1] =	wrdreg $0xFFFFFFFF  }
0xaa: {  	[dreg:$0x0] =	wrdreg $0x60  }
0xab: {  	[dreg:$0x2] =	wrdreg s22  }
0xac: {  	[dreg:$0x3] =	wrdreg s0  }
0xad: {  	[dreg:$0x4] =	wrdreg $0x9  }
0xae: {  	_ =	task.clear_ibuf [dreg:s5], $0x5FFFF;
	_ =	strace $0x90000046  }
0xaf: {  	s26 =	simm.s32 $0x9;
	_ =	strace $0x80000048  }
0xb0: {  	_ =	swait.ge [sflag:s26], $0x1  }
0xb1: {  	[sflag:s26] =	ssyncadd.s32 $0xFFFFFFFF  }
0xb2: {  	_ =	strace $0x90000048  }
0xb3: {  	_ =	sfence  }
0xb4: {  	s28 =	sld [smem:$0x0];
	_ =	sdelay $0x1  }
0xb5: {  	s29 =	srdreg.scid  }
0xb6: {  	s30 =	sshll.u32 s29, $0xD;
	s31 =	sshrl.u32 s29, $0x2  }
0xb7: {  	s2 =	sand.u32 $0x4000, s30;
	s1 =	sand.u32 $0x1, s29;
	s0 =	sadd.s32 s31, s28  }
0xb8: {  	s1 =	sor.u32 s2, s1;
	s0 =	sshll.u32 s0, $0x11  }
0xb9: {  	s0 =	sor.u32 s0, s1  }
0xba: {  	s0 =	sadd.s32 $0x8F2B, s0  }
0xbb: {  	[sflag:s0] =	ssyncadd.remote.s32 $0x1  }
0xbc: {  	_ =	sfence.sel $0xFFFF  }
0xbd: {  	[dreg:$0x0] =	wrdreg $0xFFFFFFFF;
	(pc) =	sbr.abs _section_cstart, $3  }
0xbe: {  	[dreg:$0x1] =	wrdreg $0xFFFFFFFF  }
0xbf: {  	_ =	task.clear_ibuf [dreg:s5], $0x2FFFF;
	_ =	strace $0x9FFFFFFF  }
0xc0: {  	(tm) =	ssettm $0x7FFFFFFF  }
0xc1: {  	_ =	shalt  }
tec
execute0_lowered:
.L_overlay_start_1:
0x0: {  	(tag) =	ssettag $0x1  }
0x1: {  	s2 =	rddreg [dreg:$0x0]  }
0x2: {  	s3 =	rddreg [dreg:$0x1]  }
0x3: {  	s0 =	rddreg [dreg:$0x2];
	_ =	strace $0x80000047;
	s4 =	stileid.u32  }
0x4: {  	s5 =	simm.s32 $0x3E;
	s1 =	sadd.s32 $0x200, s2;
	p0 =	sne.s32 s4, $0x0  }
0x5: {  	[sflag:s5] =	ssyncpa.u1 $0x0;
	s6 =	simm.s32 @!p0 $0x1C3E;
	s7 =	simm.s32 @!p0 $0x0  }
0x6: {  	[spmem:s7], [sflag:s6] =	dma.local @!p0 [hbm:s1], $0x10  }
0x7: {  	s6 =	simm.s32 @!p0 $0x3E  }
0x8: {  	_ =	swait.ge @!p0 [sflag:s6], $0x10  }
0x9: {  	[sflag:s6] =	ssyncset.done @!p0 $0x0  }
0xa: {  	[sflag:s6] =	ssyncadd.s32 @!p0 $0xFFFFFFF0  }
0xb: {  	s20 =	simm.s32 $0x1;
	[bflag:$0x0] =	sbarrier.arrive $0xFFFF  }
0xc: {  	s21 =	simm.s32 $0x2;
	s8 =	simm.s32 $0x0;
	[sflag:s5] =	ssyncpa.u1 $0x1  }
0xd: {  	s9 =	simm.s32 $0x48;
	s4 =	sshll.u32 s4, $0x3;
	[sflag:s20] =	ssyncpa.u1 $0x0  }
0xe: {  	s2 =	sadd.s32 s2, s4;
	(ifvalue) =	ssetifvalue $0x80;
	[sflag:s21] =	ssyncpa.u1 $0x0  }
0xf: {  	[tilespmem:s9], [sflag:$0x2] =	stream.linear.gather [hbm4b:s2+s8], $0x40, $0x38;
	[tilespmem:$0x108] =	vst v63  }
0x10: {  	s23 =	simm.s32 $0xC8;
	s22 =	sadd.s32 s3, s4  }
0x11: {  	[tilespmem:s23], [sflag:$0x2] =	stream.linear.gather [hbm4b:s22+s8], $0x40, $0x38;
	[tilespmem:$0x108] =	vst v63  }
0x12: {  	_ =	swait.ge [sflag:s21], $0x80  }
0x13: {  	[sflag:s21] =	ssyncset.done $0x0  }
0x14: {  	[sflag:s21] =	ssyncadd.s32 $0xFFFFFF80  }
0x15: {  	v0 =	vld.msk [tilespmem:s9+$0x0 ss:$0x1], $0xffff;
	_ =	sdelay $0x4  }
0x16: {  	v0 =	vmin.u32 v0, $0x80;
	_ =	sdelay $0x3  }
0x17: {  	vm0 =	vmmov $0xffff;
	s24 =	simm.s32 $0x58  }
0x18: {  	[spmem:s8] =	stream.indirect_vreg.scatter.add.s32 [tilespmem:s23], [sflag:$0x1], $0x1, v0, vm0, $0x4038;
	[tilespmem:$0x108] =	vst v63  }
0x19: {  	v0 =	vld.msk [tilespmem:s24+$0x0 ss:$0x1], $0xffff;
	_ =	sdelay $0x4  }
0x1a: {  	v0 =	vmin.u32 v0, $0x80;
	_ =	sdelay $0x3  }
0x1b: {  	s25 =	simm.s32 $0xD8;
	s26 =	simm.s32 $0x68  }
0x1c: {  	[spmem:s8] =	stream.indirect_vreg.scatter.add.s32 [tilespmem:s25], [sflag:$0x1], $0x1, v0, vm0, $0x4038;
	[tilespmem:$0x108] =	vst v63  }
0x1d: {  	v0 =	vld.msk [tilespmem:s26+$0x0 ss:$0x1], $0xffff;
	_ =	sdelay $0x4  }
0x1e: {  	v0 =	vmin.u32 v0, $0x80;
	_ =	sdelay $0x3  }
0x1f: {  	s28 =	simm.s32 $0xE8;
	s29 =	simm.s32 $0x78  }
0x20: {  	[spmem:s8] =	stream.indirect_vreg.scatter.add.s32 [tilespmem:s28], [sflag:$0x1], $0x1, v0, vm0, $0x4038;
	[tilespmem:$0x108] =	vst v63  }
0x21: {  	v0 =	vld.msk [tilespmem:s29+$0x0 ss:$0x1], $0xffff;
	_ =	sdelay $0x4  }
0x22: {  	v0 =	vmin.u32 v0, $0x80;
	_ =	sdelay $0x3  }
0x23: {  	s30 =	simm.s32 $0xF8  }
0x24: {  	[spmem:s8] =	stream.indirect_vreg.scatter.add.s32 [tilespmem:s30], [sflag:$0x1], $0x1, v0, vm0, $0x4038;
	[tilespmem:$0x108] =	vst v63  }
0x25: {  	_ =	swait.ge [sflag:s20], $0x40  }
0x26: {  	[sflag:s20] =	ssyncset.done $0x0  }
0x27: {  	[sflag:s20] =	ssyncadd.s32 $0xFFFFFFC0  }
0x28: {  	_ =	sfence.sel $0x180000  }
0x29: {  	[bflag:$0x0] =	sbarrier.arrive $0xFFFF  }
0x2a: {  	[sflag:s21] =	ssyncpa.u1 $0x1  }
0x2b: {  	[sflag:s20] =	ssyncpa.u1 $0x1  }
0x2c: {  	_ =	sfence.stream.spmem  }
0x2d: {  	s31 =	simm.s32 $0x3D;
	[bflag:$0x0] =	sbarrier.arrive $0xFFFF  }
0x2e: {  	s2 =	simm.s32 @p0 $0x3D;
	[sflag:s31] =	ssyncpa.u1 $0x0  }
0x2f: {  	[sflag:s2] =	ssyncpa.u1 @p0 $0x1  }
0x30: {  	[bflag:$0x0] =	sbarrier.arrive @p0 $0xFFFF  }
0x31: {  	_ =	strace @p0 $0x90000047  }
0x32: {  	s2 =	simm.s32 @!p0 $0x1C3D;
	[bflag:$0x2] =	sbarrier.arrive @p0 $0xFFFF  }
0x33: {  	[hbm:s1], [sflag:s2] =	dma.local @!p0 [spmem:s7], $0x10  }
0x34: {  	s1 =	simm.s32 @!p0 $0x3D  }
0x35: {  	_ =	swait.ge @!p0 [sflag:s1], $0x10  }
0x36: {  	[sflag:s1] =	ssyncset.done @!p0 $0x0  }
0x37: {  	[sflag:s1] =	ssyncadd.s32 @!p0 $0xFFFFFFF0  }
0x38: {  	[sflag:s1] =	ssyncpa.u1 @!p0 $0x1  }
0x39: {  	[bflag:$0x0] =	sbarrier.arrive @!p0 $0xFFFF  }
0x3a: {  	_ =	strace @!p0 $0x90000047  }
0x3b: {  	s0 =	sadd.s32 @!p0 $0x100000, s0;
	[bflag:$0x2] =	sbarrier.arrive @!p0 $0xFFFF  }
0x3c: {  	[sflag:s0] =	ssyncadd.tile.s32 @!p0 $0x1;
	_ =	shalt  }
.Lfunc_end2:
_tile_overlayer_lowered:
.L_overlay_start_2:
0x3d: {  	(tag) =	ssettag $0x2  }
0x3e: {  	s0 =	rddreg [dreg:$0x0];
	s2 =	stileid.u32  }
0x3f: {  	s1 =	rddreg [dreg:$0x1];
	p0 =	sne.s32 s2, $0x0  }
0x40: {  	s3 =	rddreg [dreg:$0x2];
	[bflag:$0x3] =	sbarrier.arrive $0xFFFF;
	s2 =	simm.s32 @!p0 $0x1C01  }
0x41: {  	[timem:s3], [sflag:s2] =	dma.local @!p0 [hbm:s0], s1  }
0x42: {  	s0 =	simm.s32 @!p0 $0x1  }
0x43: {  	_ =	swait.ge @!p0 [sflag:s0], s1  }
0x44: {  	s1 =	ssub.s32 @!p0 $0x0, s1;
	[sflag:s0] =	ssyncset.done @!p0 $0x0  }
0x45: {  	[sflag:s0] =	ssyncadd.s32 @!p0 s1  }
0x46: {  	[bflag:$0x3] =	sbarrier.arrive $0xFFFF  }
0x47: {  	_ =	shalt  }

</sc_bundles>
